<compile_context>
chip_gen: v7x
topology: tpu7x:2x2x1
jax: 0.10.2.dev20260603
libtpu: 0.0.44.dev20260713+nightly
codegen_flags: <defaults>
</compile_context>

<pallas_src>
import functools

import numpy as np
import jax
import jax.numpy as jnp
from jax import lax
from jax.experimental import pallas as pl
from jax.experimental.pallas import tpu as pltpu
from jax.experimental.pallas import tpu_sc as plsc

NS = 5
KNN = 8
NV = 2500
NF = 4000
FP = 4096
NP = NF * NS
PT = 512
NPP = 20480
GRID = NPP // PT

_FACEID = np.arange(FP, dtype=np.float32)
_PADINF = np.where(np.arange(FP) < NF, 0.0, np.inf).astype(np.float32)
_pidx = np.arange(NPP)
_PFI = np.where(_pidx < NP, _pidx // NS, -1).astype(np.float32)
_VALID = (_pidx < NP).astype(np.float32)


_CHUNKS = 3


def _gather_tri_rows(table, idx):
    mesh = plsc.VectorSubcoreMesh(core_axis_name="c", subcore_axis_name="s")

    @functools.partial(
        pl.kernel,
        mesh=mesh,
        out_type=jax.ShapeDtypeStruct((12288, 128), jnp.float32),
        scratch_types=[
            pltpu.VMEM((_CHUNKS, 128), jnp.int32),
            pltpu.VMEM((_CHUNKS * 128, 128), jnp.float32),
            pltpu.SemaphoreType.DMA,
        ],
    )
    def k(table_hbm, idx_hbm, out_hbm, idx_v, rows_v, sem):
        wid = lax.axis_index("s") * 2 + lax.axis_index("c")
        base = wid * (_CHUNKS * 128)
        for j in range(_CHUNKS):
            pltpu.sync_copy(idx_hbm.at[pl.ds(base + j * 128, 128)], idx_v.at[j])
            pltpu.async_copy(table_hbm.at[idx_v.at[j]],
                             rows_v.at[pl.ds(j * 128, 128)], sem).wait()
        pltpu.sync_copy(rows_v, out_hbm.at[pl.ds(base, _CHUNKS * 128)])

    return k(table, idx)


def _prep_body(vt_ref, out_ref):
    vt = vt_ref[...]
    v0x, v0y, v0z = vt[0:1], vt[1:2], vt[2:3]
    v1x, v1y, v1z = vt[3:4], vt[4:5], vt[5:6]
    v2x, v2y, v2z = vt[6:7], vt[7:8], vt[8:9]
    e1x, e1y, e1z = v1x - v0x, v1y - v0y, v1z - v0z
    e2x, e2y, e2z = v2x - v0x, v2y - v0y, v2z - v0z
    crx = e1y * e2z - e1z * e2y
    cry = e1z * e2x - e1x * e2z
    crz = e1x * e2y - e1y * e2x
    nl = jnp.sqrt((crx * crx + cry * cry) + crz * crz)
    inv = nl + jnp.float32(1e-8)
    n0, n1, n2 = crx / inv, cry / inv, crz / inv
    a00 = (n0 * n0 + n1 * n1) + n2 * n2
    d01 = (n0 * e1x + n1 * e1y) + n2 * e1z
    d02 = (n0 * e2x + n1 * e2y) + n2 * e2z
    denomp = (a00 * a00 - d01 * d01) + jnp.float32(1e-8)
    bb = d01 * d02
    cc = a00 * d02
    out_ref[...] = jnp.concatenate(
        [n0, n1, n2, a00, bb, cc, d01, denomp], axis=0)


def _prep_call(vt):
    return pl.pallas_call(
        _prep_body,
        out_shape=jax.ShapeDtypeStruct((8, FP), jnp.float32),
    )(vt)


def _main_body(pp_ref, c_ref, out_ref):
    i = pl.program_id(0)
    pp = pp_ref[...]
    px, py, pz = pp[:, 0:1], pp[:, 1:2], pp[:, 2:3]
    pfi, valid = pp[:, 3:4], pp[:, 4:5]
    c = c_ref[...]
    cx, cy, cz = c[0:1], c[1:2], c[2:3]
    n0, n1, n2 = c[3:4], c[4:5], c[5:6]
    a00, bb, cc, d01 = c[6:7], c[7:8], c[8:9], c[9:10]
    denomp, area = c[10:11], c[11:12]
    faceid, padinf = c[12:13], c[13:14]
    v0x, v0y, v0z = c[15:16], c[16:17], c[17:18]

    dx, dy, dz = px - cx, py - cy, pz - cz
    d2 = ((dx * dx + dy * dy) + dz * dz) + padinf

    work = d2
    for _ in range(KNN):
        m = jnp.min(work, axis=1, keepdims=True)
        work = jnp.where(work == m, jnp.inf, work)
    member = work != d2

    dot0p = (n0 * (px - v0x) + n1 * (py - v0y)) + n2 * (pz - v0z)
    nu = a00 * dot0p - bb
    nv = cc - d01 * dot0p
    inside = (jnp.minimum(nu, nv) >= 0.0) & ((nu + nv) <= denomp)
    keep = inside & (faceid != pfi) & member
    contrib = jnp.where(keep, area, 0.0)

    out_ref[...] = jnp.sum(contrib, axis=1, keepdims=True) * valid


def _main_call(pp, consts):
    return pl.pallas_call(
        _main_body,
        grid=(GRID,),
        in_specs=[
            pl.BlockSpec((PT, 8), lambda i: (i, 0)),
            pl.BlockSpec((24, FP), lambda i: (0, 0)),
        ],
        out_specs=pl.BlockSpec((PT, 1), lambda i: (i, 0)),
        out_shape=jax.ShapeDtypeStruct((NPP, 1), jnp.float32),
    )(pp, consts)


def _padf(x):
    return jnp.pad(x, (0, FP - NF))


def kernel(vertices, faces):
    vpad = jnp.pad(vertices, ((0, 0), (0, 125)))
    fidx = jnp.pad(faces.reshape(-1), (0, 12288 - 3 * NF))
    rows = _gather_tri_rows(vpad, fidx)
    tri = rows[:3 * NF, :3].reshape(NF, 3, 3)
    v0, v1, v2 = tri[:, 0, :], tri[:, 1, :], tri[:, 2, :]

    rkey = jax.random.key(1)
    ku, kv = jax.random.split(rkey)
    u = jax.random.uniform(ku, (NF, NS, 1), dtype=jnp.float32)
    v = jax.random.uniform(kv, (NF, NS, 1), dtype=jnp.float32)
    mask = (u + v) > 1.0
    u = jnp.where(mask, 1.0 - u, u)
    v = jnp.where(mask, 1.0 - v, v)
    w = 1.0 - u - v
    points = v0[:, None, :] * w + v1[:, None, :] * u + v2[:, None, :] * v
    points = points.reshape(-1, 3)

    centroids = tri.mean(axis=1)

    cross_prod = jnp.cross(v1 - v0, v2 - v0)
    tri_areas = 0.5 * jnp.linalg.norm(cross_prod, axis=1)

    vt9 = tri.transpose(1, 2, 0).reshape(9, NF)
    vt = jnp.pad(vt9, ((0, 7), (0, FP - NF)))
    c8 = _prep_call(vt)

    zrow = jnp.zeros((FP,), jnp.float32)
    consts = jnp.concatenate(
        [jnp.stack([_padf(centroids[:, 0]), _padf(centroids[:, 1]),
                    _padf(centroids[:, 2])], axis=0),
         c8[0:6],
         c8[6:7], c8[7:8],
         jnp.stack([_padf(tri_areas),
                    jnp.asarray(_FACEID), jnp.asarray(_PADINF), zrow,
                    _padf(v0[:, 0]), _padf(v0[:, 1]), _padf(v0[:, 2]),
                    zrow, zrow, zrow, zrow, zrow, zrow], axis=0)],
        axis=0)

    padp = jnp.zeros((NPP - NP,), jnp.float32)
    zcol = jnp.zeros((NPP,), jnp.float32)
    pp = jnp.stack(
        [jnp.concatenate([points[:, 0], padp]),
         jnp.concatenate([points[:, 1], padp]),
         jnp.concatenate([points[:, 2], padp]),
         jnp.asarray(_PFI), jnp.asarray(_VALID),
         zcol, zcol, zcol], axis=1)

    out = _main_call(pp, consts)
    return jnp.sum(out)

# --- scband reference (transcript-rebuilt; emitter-appended) ---
"""Pipeline reference for scband-overlapping-triangles-loss-66400194396561 (READ-ONLY COPY).

The authoritative reference and input builder live on the scoring server;
editing this copy changes nothing except your own understanding.
"""

import jax, jax.numpy as jnp
import numpy as np

NUM_SAMPLES = 5
K = 8
V = 2500
F = 4000


def setup_inputs(seed: int = 0) -> dict:
    key = jax.random.key(seed)
    k1, k2 = jax.random.split(key)
    vertices = jax.random.normal(k1, (V, 3), dtype=jnp.float32)
    faces = jax.random.randint(k2, (F, 3), 0, V, dtype=jnp.int32)
    return {"vertices": vertices, "faces": faces}


def reference(vertices, faces):
    n_faces = faces.shape[0]
    tri = vertices[faces]  # (F, 3, 3) gather
    v0, v1, v2 = tri[:, 0, :], tri[:, 1, :], tri[:, 2, :]

    # --- sample_points_from_triangles (deterministic key replaces torch.rand) ---
    rkey = jax.random.key(1)
    ku, kv = jax.random.split(rkey)
    u = jax.random.uniform(ku, (n_faces, NUM_SAMPLES, 1), dtype=jnp.float32)
    v = jax.random.uniform(kv, (n_faces, NUM_SAMPLES, 1), dtype=jnp.float32)
    mask = (u + v) > 1.0
    u = jnp.where(mask, 1.0 - u, u)
    v = jnp.where(mask, 1.0 - v, v)
    w = 1.0 - u - v
    points = v0[:, None, :] * w + v1[:, None, :] * u + v2[:, None, :] * v
    points = points.reshape(-1, 3)  # (N, 3), N = F * NUM_SAMPLES
    point_face_indices = jnp.repeat(jnp.arange(n_faces, dtype=jnp.int32), NUM_SAMPLES)

    # --- find_nearest_triangles ---
    centroids = tri.mean(axis=1)  # (F, 3)
    p2 = jnp.sum(points * points, axis=-1)
    c2 = jnp.sum(centroids * centroids, axis=-1)
    d2 = p2[:, None] + c2[None, :] - 2.0 * (points @ centroids.T)
    distances = jnp.sqrt(jnp.maximum(d2, 0.0))  # (N, F) cdist
    k = min(K, n_faces)
    neg_top, nearest_triangles = jax.lax.top_k(-distances, k)  # smallest-k -> (N, k)

    # --- calculate_overlap_loss ---
    nearest_faces = faces[nearest_triangles]  # (N, k, 3)
    V0 = vertices[nearest_faces[..., 0]]
    V1 = vertices[nearest_faces[..., 1]]
    V2 = vertices[nearest_faces[..., 2]]
    edge1 = V1 - V0
    edge2 = V2 - V0
    normals = jnp.cross(edge1, edge2)
    normal_lengths = jnp.linalg.norm(normals, axis=2, keepdims=True)
    normals = normals / (normal_lengths + 1e-08)

    p_v0 = points[:, None, :] - V0
    dot00 = jnp.sum(normals * normals, axis=2)
    dot01 = jnp.sum(normals * (V1 - V0), axis=2)
    dot02 = jnp.sum(normals * (V2 - V0), axis=2)
    dot0p = jnp.sum(normals * p_v0, axis=2)
    denom = dot00 * dot00 - dot01 * dot01
    uu = (dot00 * dot0p - dot01 * dot02) / (denom + 1e-08)
    vv = (dot00 * dot02 - dot01 * dot0p) / (denom + 1e-08)

    inside_mask = (uu >= 0) & (vv >= 0) & ((uu + vv) <= 1)
    source_mask = nearest_triangles == point_face_indices[:, None]
    inside_mask = inside_mask & (~source_mask)

    cross_prod = jnp.cross(V1 - V0, V2 - V0)
    tri_areas = 0.5 * jnp.linalg.norm(cross_prod, axis=2)
    areas = jnp.where(inside_mask, tri_areas, 0.0)
    overlap_penalty = areas.sum()
    return overlap_penalty

if __name__ == "__main__":
    import jax
    _d = setup_inputs()
    print(jax.jit(kernel)(*tuple(_d.values())))

</pallas_src>

<mosaic_0001>
#map = affine_map<(d0, d1) -> (0, 0)>
#map1 = affine_map<(d0, d1) -> (0)>
module attributes {stable_mosaic.version = 14 : i64} {
  func.func @k(%arg0: i32, %arg1: i32, %arg2: memref<2500x128xf32, #tpu.memory_space<hbm>>, %arg3: memref<12288xi32, #tpu.memory_space<hbm>>, %arg4: memref<12288x128xf32, #tpu.memory_space<hbm>>, %arg5: memref<3x128xi32, #tpu.memory_space<vmem>>, %arg6: memref<384x128xf32, #tpu.memory_space<vmem>>, %arg7: memref<!tpu.dma_semaphore, #tpu.memory_space<semaphore_mem>>) attributes {dimension_semantics = [#tpu.dimension_semantics<core_parallel>, #tpu.dimension_semantics<subcore_parallel>], iteration_bounds = array<i64: 2, 16>, scalar_prefetch = 0 : i64, scratch_operands = 3 : i64, tpu.core_type = #tpu.core_type<sc_vector_subcore>, window_params = [{transform_indices = #map}, {transform_indices = #map1}, {transform_indices = #map}]} {
    %mul3A = arith.constant 2 : i32
    %mul3A_0 = arith.muli %arg1, %mul3A : i32
    %add3A = arith.addi %mul3A_0, %arg0 : i32
    %mul3A_1 = arith.constant 384 : i32
    %mul3A_2 = arith.muli %add3A, %mul3A_1 : i32
    %add3A_3 = arith.constant 0 : i32
    %add3A_4 = arith.addi %mul3A_2, %add3A_3 : i32
    %run_scoped3A = arith.constant 0 : i32
    "tpu.region"() ({
      %run_scoped3A_69 = tpu.sem_alloc : memref<!tpu.dma_semaphore, #tpu.memory_space<semaphore_mem>>
      %dma_start3A_70 = arith.constant 0 : i32
      %dma_start3A_71 = tpu.memref_slice %arg5[%run_scoped3A, %dma_start3A_70] : memref<3x128xi32, #tpu.memory_space<vmem>> -> memref<1x128xi32, #tpu.memory_space<vmem>>
      %dma_start3A_72 = tpu.memref_squeeze %dma_start3A_71 : memref<1x128xi32, #tpu.memory_space<vmem>> -> memref<128xi32, #tpu.memory_space<vmem>>
      %dma_start3A_73 = tpu.memref_slice %arg3[%add3A_4] : memref<12288xi32, #tpu.memory_space<hbm>> -> memref<128xi32, #tpu.memory_space<hbm>>
      %dma_start3A_74 = arith.constant 0 : i32
      %dma_start3A_75 = tpu.memref_slice %arg5[%run_scoped3A, %dma_start3A_74] : memref<3x128xi32, #tpu.memory_space<vmem>> -> memref<1x128xi32, #tpu.memory_space<vmem>>
      %dma_start3A_76 = tpu.memref_squeeze %dma_start3A_75 : memref<1x128xi32, #tpu.memory_space<vmem>> -> memref<128xi32, #tpu.memory_space<vmem>>
      %dma_start3A_77 = tpu.memref_slice %arg3[%add3A_4] : memref<12288xi32, #tpu.memory_space<hbm>> -> memref<128xi32, #tpu.memory_space<hbm>>
      tpu.enqueue_dma source(%dma_start3A_77 : memref<128xi32, #tpu.memory_space<hbm>>) target(%dma_start3A_76 : memref<128xi32, #tpu.memory_space<vmem>>) target_semaphore(%run_scoped3A_69 : memref<!tpu.dma_semaphore, #tpu.memory_space<semaphore_mem>>)
      %dma_wait3A_78 = arith.constant 0 : i32
      %dma_wait3A_79 = tpu.memref_slice %arg5[%run_scoped3A, %dma_wait3A_78] : memref<3x128xi32, #tpu.memory_space<vmem>> -> memref<1x128xi32, #tpu.memory_space<vmem>>
      %dma_wait3A_80 = tpu.memref_squeeze %dma_wait3A_79 : memref<1x128xi32, #tpu.memory_space<vmem>> -> memref<128xi32, #tpu.memory_space<vmem>>
      %dma_wait3A_81 = tpu.memref_slice %arg3[%add3A_4] : memref<12288xi32, #tpu.memory_space<hbm>> -> memref<128xi32, #tpu.memory_space<hbm>>
      %dma_wait3A_82 = arith.constant 0 : i32
      %dma_wait3A_83 = tpu.memref_slice %arg5[%run_scoped3A, %dma_wait3A_82] : memref<3x128xi32, #tpu.memory_space<vmem>> -> memref<1x128xi32, #tpu.memory_space<vmem>>
      %dma_wait3A_84 = tpu.memref_squeeze %dma_wait3A_83 : memref<1x128xi32, #tpu.memory_space<vmem>> -> memref<128xi32, #tpu.memory_space<vmem>>
      %dma_wait3A_85 = tpu.memref_slice %arg3[%add3A_4] : memref<12288xi32, #tpu.memory_space<hbm>> -> memref<128xi32, #tpu.memory_space<hbm>>
      tpu.wait_dma2 semaphore(%run_scoped3A_69 : memref<!tpu.dma_semaphore, #tpu.memory_space<semaphore_mem>>) src(%dma_wait3A_85 : memref<128xi32, #tpu.memory_space<hbm>>) dst(%dma_wait3A_84 : memref<128xi32, #tpu.memory_space<vmem>>)
      tpu.yield
    }) : () -> ()
    %dma_start3A = arith.constant 0 : i32
    %dma_start3A_5 = arith.constant 0 : i32
    %dma_start3A_6 = arith.constant 0 : i32
    %dma_start3A_7 = tpu.memref_slice %arg6[%dma_start3A_5, %dma_start3A_6] : memref<384x128xf32, #tpu.memory_space<vmem>> -> memref<128x128xf32, #tpu.memory_space<vmem>>
    %dma_start3A_8 = arith.constant 0 : i32
    %dma_start3A_9 = tpu.memref_slice %arg5[%dma_start3A, %dma_start3A_8] : memref<3x128xi32, #tpu.memory_space<vmem>> -> memref<1x128xi32, #tpu.memory_space<vmem>>
    %dma_start3A_10 = tpu.memref_squeeze %dma_start3A_9 : memref<1x128xi32, #tpu.memory_space<vmem>> -> memref<128xi32, #tpu.memory_space<vmem>>
    %dma_start3A_11 = arith.constant 0 : i32
    %dma_start3A_12 = arith.constant 0 : i32
    %dma_start3A_13 = tpu.memref_slice %arg2[%dma_start3A_11, %dma_start3A_12] : memref<2500x128xf32, #tpu.memory_space<hbm>> -> memref<2500x128xf32, #tpu.memory_space<hbm>>
    tpu.enqueue_indirect_dma source(%dma_start3A_13 : memref<2500x128xf32, #tpu.memory_space<hbm>>) target(%dma_start3A_7 : memref<128x128xf32, #tpu.memory_space<vmem>>) offsets(%dma_start3A_10 : memref<128xi32, #tpu.memory_space<vmem>>) semaphore(%arg7 : memref<!tpu.dma_semaphore, #tpu.memory_space<semaphore_mem>>)
    %dma_wait3A = arith.constant 0 : i32
    %dma_wait3A_14 = arith.constant 0 : i32
    %dma_wait3A_15 = arith.constant 0 : i32
    %dma_wait3A_16 = tpu.memref_slice %arg6[%dma_wait3A_14, %dma_wait3A_15] : memref<384x128xf32, #tpu.memory_space<vmem>> -> memref<128x128xf32, #tpu.memory_space<vmem>>
    %dma_wait3A_17 = arith.constant 0 : i32
    %dma_wait3A_18 = tpu.memref_slice %arg5[%dma_wait3A, %dma_wait3A_17] : memref<3x128xi32, #tpu.memory_space<vmem>> -> memref<1x128xi32, #tpu.memory_space<vmem>>
    %dma_wait3A_19 = tpu.memref_squeeze %dma_wait3A_18 : memref<1x128xi32, #tpu.memory_space<vmem>> -> memref<128xi32, #tpu.memory_space<vmem>>
    %dma_wait3A_20 = arith.constant 0 : i32
    %dma_wait3A_21 = arith.constant 0 : i32
    %dma_wait3A_22 = tpu.memref_slice %arg2[%dma_wait3A_20, %dma_wait3A_21] : memref<2500x128xf32, #tpu.memory_space<hbm>> -> memref<2500x128xf32, #tpu.memory_space<hbm>>
    tpu.wait_indirect_dma semaphore(%arg7 : memref<!tpu.dma_semaphore, #tpu.memory_space<semaphore_mem>>) src(%dma_wait3A_22 : memref<2500x128xf32, #tpu.memory_space<hbm>>) dst(%dma_wait3A_16 : memref<128x128xf32, #tpu.memory_space<vmem>>)
    %add3A_23 = arith.constant 128 : i32
    %add3A_24 = arith.addi %mul3A_2, %add3A_23 : i32
    %run_scoped3A_25 = arith.constant 1 : i32
    "tpu.region"() ({
      %run_scoped3A_69 = tpu.sem_alloc : memref<!tpu.dma_semaphore, #tpu.memory_space<semaphore_mem>>
      %dma_start3A_70 = arith.constant 0 : i32
      %dma_start3A_71 = tpu.memref_slice %arg5[%run_scoped3A_25, %dma_start3A_70] : memref<3x128xi32, #tpu.memory_space<vmem>> -> memref<1x128xi32, #tpu.memory_space<vmem>>
      %dma_start3A_72 = tpu.memref_squeeze %dma_start3A_71 : memref<1x128xi32, #tpu.memory_space<vmem>> -> memref<128xi32, #tpu.memory_space<vmem>>
      %dma_start3A_73 = tpu.memref_slice %arg3[%add3A_24] : memref<12288xi32, #tpu.memory_space<hbm>> -> memref<128xi32, #tpu.memory_space<hbm>>
      %dma_start3A_74 = arith.constant 0 : i32
      %dma_start3A_75 = tpu.memref_slice %arg5[%run_scoped3A_25, %dma_start3A_74] : memref<3x128xi32, #tpu.memory_space<vmem>> -> memref<1x128xi32, #tpu.memory_space<vmem>>
      %dma_start3A_76 = tpu.memref_squeeze %dma_start3A_75 : memref<1x128xi32, #tpu.memory_space<vmem>> -> memref<128xi32, #tpu.memory_space<vmem>>
      %dma_start3A_77 = tpu.memref_slice %arg3[%add3A_24] : memref<12288xi32, #tpu.memory_space<hbm>> -> memref<128xi32, #tpu.memory_space<hbm>>
      tpu.enqueue_dma source(%dma_start3A_77 : memref<128xi32, #tpu.memory_space<hbm>>) target(%dma_start3A_76 : memref<128xi32, #tpu.memory_space<vmem>>) target_semaphore(%run_scoped3A_69 : memref<!tpu.dma_semaphore, #tpu.memory_space<semaphore_mem>>)
      %dma_wait3A_78 = arith.constant 0 : i32
      %dma_wait3A_79 = tpu.memref_slice %arg5[%run_scoped3A_25, %dma_wait3A_78] : memref<3x128xi32, #tpu.memory_space<vmem>> -> memref<1x128xi32, #tpu.memory_space<vmem>>
      %dma_wait3A_80 = tpu.memref_squeeze %dma_wait3A_79 : memref<1x128xi32, #tpu.memory_space<vmem>> -> memref<128xi32, #tpu.memory_space<vmem>>
      %dma_wait3A_81 = tpu.memref_slice %arg3[%add3A_24] : memref<12288xi32, #tpu.memory_space<hbm>> -> memref<128xi32, #tpu.memory_space<hbm>>
      %dma_wait3A_82 = arith.constant 0 : i32
      %dma_wait3A_83 = tpu.memref_slice %arg5[%run_scoped3A_25, %dma_wait3A_82] : memref<3x128xi32, #tpu.memory_space<vmem>> -> memref<1x128xi32, #tpu.memory_space<vmem>>
      %dma_wait3A_84 = tpu.memref_squeeze %dma_wait3A_83 : memref<1x128xi32, #tpu.memory_space<vmem>> -> memref<128xi32, #tpu.memory_space<vmem>>
      %dma_wait3A_85 = tpu.memref_slice %arg3[%add3A_24] : memref<12288xi32, #tpu.memory_space<hbm>> -> memref<128xi32, #tpu.memory_space<hbm>>
      tpu.wait_dma2 semaphore(%run_scoped3A_69 : memref<!tpu.dma_semaphore, #tpu.memory_space<semaphore_mem>>) src(%dma_wait3A_85 : memref<128xi32, #tpu.memory_space<hbm>>) dst(%dma_wait3A_84 : memref<128xi32, #tpu.memory_space<vmem>>)
      tpu.yield
    }) : () -> ()
    %dma_start3A_26 = arith.constant 1 : i32
    %dma_start3A_27 = arith.constant 128 : i32
    %dma_start3A_28 = arith.constant 0 : i32
    %dma_start3A_29 = tpu.memref_slice %arg6[%dma_start3A_27, %dma_start3A_28] : memref<384x128xf32, #tpu.memory_space<vmem>> -> memref<128x128xf32, #tpu.memory_space<vmem>>
    %dma_start3A_30 = arith.constant 0 : i32
    %dma_start3A_31 = tpu.memref_slice %arg5[%dma_start3A_26, %dma_start3A_30] : memref<3x128xi32, #tpu.memory_space<vmem>> -> memref<1x128xi32, #tpu.memory_space<vmem>>
    %dma_start3A_32 = tpu.memref_squeeze %dma_start3A_31 : memref<1x128xi32, #tpu.memory_space<vmem>> -> memref<128xi32, #tpu.memory_space<vmem>>
    %dma_start3A_33 = arith.constant 0 : i32
    %dma_start3A_34 = arith.constant 0 : i32
    %dma_start3A_35 = tpu.memref_slice %arg2[%dma_start3A_33, %dma_start3A_34] : memref<2500x128xf32, #tpu.memory_space<hbm>> -> memref<2500x128xf32, #tpu.memory_space<hbm>>
    tpu.enqueue_indirect_dma source(%dma_start3A_35 : memref<2500x128xf32, #tpu.memory_space<hbm>>) target(%dma_start3A_29 : memref<128x128xf32, #tpu.memory_space<vmem>>) offsets(%dma_start3A_32 : memref<128xi32, #tpu.memory_space<vmem>>) semaphore(%arg7 : memref<!tpu.dma_semaphore, #tpu.memory_space<semaphore_mem>>)
    %dma_wait3A_36 = arith.constant 1 : i32
    %dma_wait3A_37 = arith.constant 128 : i32
    %dma_wait3A_38 = arith.constant 0 : i32
    %dma_wait3A_39 = tpu.memref_slice %arg6[%dma_wait3A_37, %dma_wait3A_38] : memref<384x128xf32, #tpu.memory_space<vmem>> -> memref<128x128xf32, #tpu.memory_space<vmem>>
    %dma_wait3A_40 = arith.constant 0 : i32
    %dma_wait3A_41 = tpu.memref_slice %arg5[%dma_wait3A_36, %dma_wait3A_40] : memref<3x128xi32, #tpu.memory_space<vmem>> -> memref<1x128xi32, #tpu.memory_space<vmem>>
    %dma_wait3A_42 = tpu.memref_squeeze %dma_wait3A_41 : memref<1x128xi32, #tpu.memory_space<vmem>> -> memref<128xi32, #tpu.memory_space<vmem>>
    %dma_wait3A_43 = arith.constant 0 : i32
    %dma_wait3A_44 = arith.constant 0 : i32
    %dma_wait3A_45 = tpu.memref_slice %arg2[%dma_wait3A_43, %dma_wait3A_44] : memref<2500x128xf32, #tpu.memory_space<hbm>> -> memref<2500x128xf32, #tpu.memory_space<hbm>>
    tpu.wait_indirect_dma semaphore(%arg7 : memref<!tpu.dma_semaphore, #tpu.memory_space<semaphore_mem>>) src(%dma_wait3A_45 : memref<2500x128xf32, #tpu.memory_space<hbm>>) dst(%dma_wait3A_39 : memref<128x128xf32, #tpu.memory_space<vmem>>)
    %add3A_46 = arith.constant 256 : i32
    %add3A_47 = arith.addi %mul3A_2, %add3A_46 : i32
    %run_scoped3A_48 = arith.constant 2 : i32
    "tpu.region"() ({
      %run_scoped3A_69 = tpu.sem_alloc : memref<!tpu.dma_semaphore, #tpu.memory_space<semaphore_mem>>
      %dma_start3A_70 = arith.constant 0 : i32
      %dma_start3A_71 = tpu.memref_slice %arg5[%run_scoped3A_48, %dma_start3A_70] : memref<3x128xi32, #tpu.memory_space<vmem>> -> memref<1x128xi32, #tpu.memory_space<vmem>>
      %dma_start3A_72 = tpu.memref_squeeze %dma_start3A_71 : memref<1x128xi32, #tpu.memory_space<vmem>> -> memref<128xi32, #tpu.memory_space<vmem>>
      %dma_start3A_73 = tpu.memref_slice %arg3[%add3A_47] : memref<12288xi32, #tpu.memory_space<hbm>> -> memref<128xi32, #tpu.memory_space<hbm>>
      %dma_start3A_74 = arith.constant 0 : i32
      %dma_start3A_75 = tpu.memref_slice %arg5[%run_scoped3A_48, %dma_start3A_74] : memref<3x128xi32, #tpu.memory_space<vmem>> -> memref<1x128xi32, #tpu.memory_space<vmem>>
      %dma_start3A_76 = tpu.memref_squeeze %dma_start3A_75 : memref<1x128xi32, #tpu.memory_space<vmem>> -> memref<128xi32, #tpu.memory_space<vmem>>
      %dma_start3A_77 = tpu.memref_slice %arg3[%add3A_47] : memref<12288xi32, #tpu.memory_space<hbm>> -> memref<128xi32, #tpu.memory_space<hbm>>
      tpu.enqueue_dma source(%dma_start3A_77 : memref<128xi32, #tpu.memory_space<hbm>>) target(%dma_start3A_76 : memref<128xi32, #tpu.memory_space<vmem>>) target_semaphore(%run_scoped3A_69 : memref<!tpu.dma_semaphore, #tpu.memory_space<semaphore_mem>>)
      %dma_wait3A_78 = arith.constant 0 : i32
      %dma_wait3A_79 = tpu.memref_slice %arg5[%run_scoped3A_48, %dma_wait3A_78] : memref<3x128xi32, #tpu.memory_space<vmem>> -> memref<1x128xi32, #tpu.memory_space<vmem>>
      %dma_wait3A_80 = tpu.memref_squeeze %dma_wait3A_79 : memref<1x128xi32, #tpu.memory_space<vmem>> -> memref<128xi32, #tpu.memory_space<vmem>>
      %dma_wait3A_81 = tpu.memref_slice %arg3[%add3A_47] : memref<12288xi32, #tpu.memory_space<hbm>> -> memref<128xi32, #tpu.memory_space<hbm>>
      %dma_wait3A_82 = arith.constant 0 : i32
      %dma_wait3A_83 = tpu.memref_slice %arg5[%run_scoped3A_48, %dma_wait3A_82] : memref<3x128xi32, #tpu.memory_space<vmem>> -> memref<1x128xi32, #tpu.memory_space<vmem>>
      %dma_wait3A_84 = tpu.memref_squeeze %dma_wait3A_83 : memref<1x128xi32, #tpu.memory_space<vmem>> -> memref<128xi32, #tpu.memory_space<vmem>>
      %dma_wait3A_85 = tpu.memref_slice %arg3[%add3A_47] : memref<12288xi32, #tpu.memory_space<hbm>> -> memref<128xi32, #tpu.memory_space<hbm>>
      tpu.wait_dma2 semaphore(%run_scoped3A_69 : memref<!tpu.dma_semaphore, #tpu.memory_space<semaphore_mem>>) src(%dma_wait3A_85 : memref<128xi32, #tpu.memory_space<hbm>>) dst(%dma_wait3A_84 : memref<128xi32, #tpu.memory_space<vmem>>)
      tpu.yield
    }) : () -> ()
    %dma_start3A_49 = arith.constant 2 : i32
    %dma_start3A_50 = arith.constant 256 : i32
    %dma_start3A_51 = arith.constant 0 : i32
    %dma_start3A_52 = tpu.memref_slice %arg6[%dma_start3A_50, %dma_start3A_51] : memref<384x128xf32, #tpu.memory_space<vmem>> -> memref<128x128xf32, #tpu.memory_space<vmem>>
    %dma_start3A_53 = arith.constant 0 : i32
    %dma_start3A_54 = tpu.memref_slice %arg5[%dma_start3A_49, %dma_start3A_53] : memref<3x128xi32, #tpu.memory_space<vmem>> -> memref<1x128xi32, #tpu.memory_space<vmem>>
    %dma_start3A_55 = tpu.memref_squeeze %dma_start3A_54 : memref<1x128xi32, #tpu.memory_space<vmem>> -> memref<128xi32, #tpu.memory_space<vmem>>
    %dma_start3A_56 = arith.constant 0 : i32
    %dma_start3A_57 = arith.constant 0 : i32
    %dma_start3A_58 = tpu.memref_slice %arg2[%dma_start3A_56, %dma_start3A_57] : memref<2500x128xf32, #tpu.memory_space<hbm>> -> memref<2500x128xf32, #tpu.memory_space<hbm>>
    tpu.enqueue_indirect_dma source(%dma_start3A_58 : memref<2500x128xf32, #tpu.memory_space<hbm>>) target(%dma_start3A_52 : memref<128x128xf32, #tpu.memory_space<vmem>>) offsets(%dma_start3A_55 : memref<128xi32, #tpu.memory_space<vmem>>) semaphore(%arg7 : memref<!tpu.dma_semaphore, #tpu.memory_space<semaphore_mem>>)
    %dma_wait3A_59 = arith.constant 2 : i32
    %dma_wait3A_60 = arith.constant 256 : i32
    %dma_wait3A_61 = arith.constant 0 : i32
    %dma_wait3A_62 = tpu.memref_slice %arg6[%dma_wait3A_60, %dma_wait3A_61] : memref<384x128xf32, #tpu.memory_space<vmem>> -> memref<128x128xf32, #tpu.memory_space<vmem>>
    %dma_wait3A_63 = arith.constant 0 : i32
    %dma_wait3A_64 = tpu.memref_slice %arg5[%dma_wait3A_59, %dma_wait3A_63] : memref<3x128xi32, #tpu.memory_space<vmem>> -> memref<1x128xi32, #tpu.memory_space<vmem>>
    %dma_wait3A_65 = tpu.memref_squeeze %dma_wait3A_64 : memref<1x128xi32, #tpu.memory_space<vmem>> -> memref<128xi32, #tpu.memory_space<vmem>>
    %dma_wait3A_66 = arith.constant 0 : i32
    %dma_wait3A_67 = arith.constant 0 : i32
    %dma_wait3A_68 = tpu.memref_slice %arg2[%dma_wait3A_66, %dma_wait3A_67] : memref<2500x128xf32, #tpu.memory_space<hbm>> -> memref<2500x128xf32, #tpu.memory_space<hbm>>
    tpu.wait_indirect_dma semaphore(%arg7 : memref<!tpu.dma_semaphore, #tpu.memory_space<semaphore_mem>>) src(%dma_wait3A_68 : memref<2500x128xf32, #tpu.memory_space<hbm>>) dst(%dma_wait3A_62 : memref<128x128xf32, #tpu.memory_space<vmem>>)
    "tpu.region"() ({
      %run_scoped3A_69 = tpu.sem_alloc : memref<!tpu.dma_semaphore, #tpu.memory_space<semaphore_mem>>
      %dma_start3A_70 = arith.constant 0 : i32
      %dma_start3A_71 = tpu.memref_slice %arg4[%mul3A_2, %dma_start3A_70] : memref<12288x128xf32, #tpu.memory_space<hbm>> -> memref<384x128xf32, #tpu.memory_space<hbm>>
      %dma_start3A_72 = arith.constant 0 : i32
      %dma_start3A_73 = tpu.memref_slice %arg4[%mul3A_2, %dma_start3A_72] : memref<12288x128xf32, #tpu.memory_space<hbm>> -> memref<384x128xf32, #tpu.memory_space<hbm>>
      tpu.enqueue_dma source(%arg6 : memref<384x128xf32, #tpu.memory_space<vmem>>) target(%dma_start3A_73 : memref<384x128xf32, #tpu.memory_space<hbm>>) target_semaphore(%run_scoped3A_69 : memref<!tpu.dma_semaphore, #tpu.memory_space<semaphore_mem>>)
      %dma_wait3A_74 = arith.constant 0 : i32
      %dma_wait3A_75 = tpu.memref_slice %arg4[%mul3A_2, %dma_wait3A_74] : memref<12288x128xf32, #tpu.memory_space<hbm>> -> memref<384x128xf32, #tpu.memory_space<hbm>>
      %dma_wait3A_76 = arith.constant 0 : i32
      %dma_wait3A_77 = tpu.memref_slice %arg4[%mul3A_2, %dma_wait3A_76] : memref<12288x128xf32, #tpu.memory_space<hbm>> -> memref<384x128xf32, #tpu.memory_space<hbm>>
      tpu.wait_dma2 semaphore(%run_scoped3A_69 : memref<!tpu.dma_semaphore, #tpu.memory_space<semaphore_mem>>) src(%arg6 : memref<384x128xf32, #tpu.memory_space<vmem>>) dst(%dma_wait3A_77 : memref<384x128xf32, #tpu.memory_space<hbm>>)
      tpu.yield
    }) : () -> ()
    return
  }
}

module attributes {stable_mosaic.version = 14 : i64} {
  func.func @_prep_body(%arg0: memref<16x4096xf32, #tpu.memory_space<vmem>>, %arg1: memref<8x4096xf32, #tpu.memory_space<vmem>>) attributes {dimension_semantics = [], scalar_prefetch = 0 : i64, scratch_operands = 0 : i64, tpu.core_type = #tpu.core_type<tc>} {
    %get3A = arith.constant 0 : index
    %get3A_0 = arith.constant 0 : index
    %get3A_1 = vector.load %arg0[%get3A, %get3A_0] : memref<16x4096xf32, #tpu.memory_space<vmem>>, vector<16x4096xf32>
    %slice3A = vector.extract_strided_slice %get3A_1 {offsets = [0, 0], sizes = [1, 4096], strides = [1, 1]} : vector<16x4096xf32> to vector<1x4096xf32>
    %slice3A_2 = vector.extract_strided_slice %get3A_1 {offsets = [1, 0], sizes = [1, 4096], strides = [1, 1]} : vector<16x4096xf32> to vector<1x4096xf32>
    %slice3A_3 = vector.extract_strided_slice %get3A_1 {offsets = [2, 0], sizes = [1, 4096], strides = [1, 1]} : vector<16x4096xf32> to vector<1x4096xf32>
    %slice3A_4 = vector.extract_strided_slice %get3A_1 {offsets = [3, 0], sizes = [1, 4096], strides = [1, 1]} : vector<16x4096xf32> to vector<1x4096xf32>
    %slice3A_5 = vector.extract_strided_slice %get3A_1 {offsets = [4, 0], sizes = [1, 4096], strides = [1, 1]} : vector<16x4096xf32> to vector<1x4096xf32>
    %slice3A_6 = vector.extract_strided_slice %get3A_1 {offsets = [5, 0], sizes = [1, 4096], strides = [1, 1]} : vector<16x4096xf32> to vector<1x4096xf32>
    %slice3A_7 = vector.extract_strided_slice %get3A_1 {offsets = [6, 0], sizes = [1, 4096], strides = [1, 1]} : vector<16x4096xf32> to vector<1x4096xf32>
    %slice3A_8 = vector.extract_strided_slice %get3A_1 {offsets = [7, 0], sizes = [1, 4096], strides = [1, 1]} : vector<16x4096xf32> to vector<1x4096xf32>
    %slice3A_9 = vector.extract_strided_slice %get3A_1 {offsets = [8, 0], sizes = [1, 4096], strides = [1, 1]} : vector<16x4096xf32> to vector<1x4096xf32>
    %sub3A = arith.subf %slice3A_4, %slice3A : vector<1x4096xf32>
    %sub3A_10 = arith.subf %slice3A_5, %slice3A_2 : vector<1x4096xf32>
    %sub3A_11 = arith.subf %slice3A_6, %slice3A_3 : vector<1x4096xf32>
    %sub3A_12 = arith.subf %slice3A_7, %slice3A : vector<1x4096xf32>
    %sub3A_13 = arith.subf %slice3A_8, %slice3A_2 : vector<1x4096xf32>
    %sub3A_14 = arith.subf %slice3A_9, %slice3A_3 : vector<1x4096xf32>
    %mul3A = arith.mulf %sub3A_10, %sub3A_14 : vector<1x4096xf32>
    %mul3A_15 = arith.mulf %sub3A_11, %sub3A_13 : vector<1x4096xf32>
    %sub3A_16 = arith.subf %mul3A, %mul3A_15 : vector<1x4096xf32>
    %mul3A_17 = arith.mulf %sub3A_11, %sub3A_12 : vector<1x4096xf32>
    %mul3A_18 = arith.mulf %sub3A, %sub3A_14 : vector<1x4096xf32>
    %sub3A_19 = arith.subf %mul3A_17, %mul3A_18 : vector<1x4096xf32>
    %mul3A_20 = arith.mulf %sub3A, %sub3A_13 : vector<1x4096xf32>
    %mul3A_21 = arith.mulf %sub3A_10, %sub3A_12 : vector<1x4096xf32>
    %sub3A_22 = arith.subf %mul3A_20, %mul3A_21 : vector<1x4096xf32>
    %mul3A_23 = arith.mulf %sub3A_16, %sub3A_16 : vector<1x4096xf32>
    %mul3A_24 = arith.mulf %sub3A_19, %sub3A_19 : vector<1x4096xf32>
    %add3A = arith.addf %mul3A_23, %mul3A_24 : vector<1x4096xf32>
    %mul3A_25 = arith.mulf %sub3A_22, %sub3A_22 : vector<1x4096xf32>
    %add3A_26 = arith.addf %add3A, %mul3A_25 : vector<1x4096xf32>
    %sqrt3A = math.sqrt %add3A_26 : vector<1x4096xf32>
    %add3A_27 = arith.constant 9.99999993E-9 : f32
    %add3A_28 = vector.broadcast %add3A_27 : f32 to vector<1x4096xf32>
    %add3A_29 = arith.addf %sqrt3A, %add3A_28 : vector<1x4096xf32>
    %div3A = arith.divf %sub3A_16, %add3A_29 : vector<1x4096xf32>
    %div3A_30 = arith.divf %sub3A_19, %add3A_29 : vector<1x4096xf32>
    %div3A_31 = arith.divf %sub3A_22, %add3A_29 : vector<1x4096xf32>
    %mul3A_32 = arith.mulf %div3A, %div3A : vector<1x4096xf32>
    %mul3A_33 = arith.mulf %div3A_30, %div3A_30 : vector<1x4096xf32>
    %add3A_34 = arith.addf %mul3A_32, %mul3A_33 : vector<1x4096xf32>
    %mul3A_35 = arith.mulf %div3A_31, %div3A_31 : vector<1x4096xf32>
    %add3A_36 = arith.addf %add3A_34, %mul3A_35 : vector<1x4096xf32>
    %mul3A_37 = arith.mulf %div3A, %sub3A : vector<1x4096xf32>
    %mul3A_38 = arith.mulf %div3A_30, %sub3A_10 : vector<1x4096xf32>
    %add3A_39 = arith.addf %mul3A_37, %mul3A_38 : vector<1x4096xf32>
    %mul3A_40 = arith.mulf %div3A_31, %sub3A_11 : vector<1x4096xf32>
    %add3A_41 = arith.addf %add3A_39, %mul3A_40 : vector<1x4096xf32>
    %mul3A_42 = arith.mulf %div3A, %sub3A_12 : vector<1x4096xf32>
    %mul3A_43 = arith.mulf %div3A_30, %sub3A_13 : vector<1x4096xf32>
    %add3A_44 = arith.addf %mul3A_42, %mul3A_43 : vector<1x4096xf32>
    %mul3A_45 = arith.mulf %div3A_31, %sub3A_14 : vector<1x4096xf32>
    %add3A_46 = arith.addf %add3A_44, %mul3A_45 : vector<1x4096xf32>
    %mul3A_47 = arith.mulf %add3A_36, %add3A_36 : vector<1x4096xf32>
    %mul3A_48 = arith.mulf %add3A_41, %add3A_41 : vector<1x4096xf32>
    %sub3A_49 = arith.subf %mul3A_47, %mul3A_48 : vector<1x4096xf32>
    %add3A_50 = arith.constant 9.99999993E-9 : f32
    %add3A_51 = vector.broadcast %add3A_50 : f32 to vector<1x4096xf32>
    %add3A_52 = arith.addf %sub3A_49, %add3A_51 : vector<1x4096xf32>
    %mul3A_53 = arith.mulf %add3A_41, %add3A_46 : vector<1x4096xf32>
    %mul3A_54 = arith.mulf %add3A_36, %add3A_46 : vector<1x4096xf32>
    %concatenate3A = tpu.concatenate %div3A, %div3A_30, %div3A_31, %add3A_36, %mul3A_53, %mul3A_54, %add3A_41, %add3A_52 in 0 : vector<1x4096xf32>, vector<1x4096xf32>, vector<1x4096xf32>, vector<1x4096xf32>, vector<1x4096xf32>, vector<1x4096xf32>, vector<1x4096xf32>, vector<1x4096xf32> -> vector<8x4096xf32>
    %swap3A = arith.constant 0 : index
    %swap3A_55 = arith.constant 0 : index
    %swap3A_56 = vector.load %arg1[%swap3A, %swap3A_55] : memref<8x4096xf32, #tpu.memory_space<vmem>>, vector<8x4096xf32>
    tpu.vector_store %arg1[%swap3A, %swap3A_55], %concatenate3A {strides = array<i32>} : memref<8x4096xf32, #tpu.memory_space<vmem>>, vector<8x4096xf32>,
    return
  }
}

module attributes {stable_mosaic.version = 14 : i64} {
  func.func @_main_body(%arg0: i32, %arg1: memref<512x8xf32, #tpu.memory_space<vmem>>, %arg2: memref<24x4096xf32, #tpu.memory_space<vmem>>, %arg3: memref<512x1xf32, #tpu.memory_space<vmem>>) attributes {dimension_semantics = [#tpu.dimension_semantics<arbitrary>], iteration_bounds = array<i64: 40>, scalar_prefetch = 0 : i64, scratch_operands = 0 : i64, tpu.core_type = #tpu.core_type<tc>, window_params = [{transform_indices = @transform_0, window_bounds = array<i64: 512, 8>}, {pipeline_mode = #tpu.pipeline_mode<synchronous>, transform_indices = @transform_1, window_bounds = array<i64: 24, 4096>}, {transform_indices = @transform_2, window_bounds = array<i64: 512, 1>}]} {
    %get3A = arith.constant 0 : index
    %get3A_0 = arith.constant 0 : index
    %get3A_1 = vector.load %arg1[%get3A, %get3A_0] : memref<512x8xf32, #tpu.memory_space<vmem>>, vector<512x8xf32>
    %slice3A = vector.extract_strided_slice %get3A_1 {offsets = [0, 0], sizes = [512, 1], strides = [1, 1]} : vector<512x8xf32> to vector<512x1xf32>
    %slice3A_2 = vector.extract_strided_slice %get3A_1 {offsets = [0, 1], sizes = [512, 1], strides = [1, 1]} : vector<512x8xf32> to vector<512x1xf32>
    %slice3A_3 = vector.extract_strided_slice %get3A_1 {offsets = [0, 2], sizes = [512, 1], strides = [1, 1]} : vector<512x8xf32> to vector<512x1xf32>
    %slice3A_4 = vector.extract_strided_slice %get3A_1 {offsets = [0, 3], sizes = [512, 1], strides = [1, 1]} : vector<512x8xf32> to vector<512x1xf32>
    %slice3A_5 = vector.extract_strided_slice %get3A_1 {offsets = [0, 4], sizes = [512, 1], strides = [1, 1]} : vector<512x8xf32> to vector<512x1xf32>
    %get3A_6 = arith.constant 0 : index
    %get3A_7 = arith.constant 0 : index
    %get3A_8 = vector.load %arg2[%get3A_6, %get3A_7] : memref<24x4096xf32, #tpu.memory_space<vmem>>, vector<24x4096xf32>
    %slice3A_9 = vector.extract_strided_slice %get3A_8 {offsets = [0, 0], sizes = [1, 4096], strides = [1, 1]} : vector<24x4096xf32> to vector<1x4096xf32>
    %slice3A_10 = vector.extract_strided_slice %get3A_8 {offsets = [1, 0], sizes = [1, 4096], strides = [1, 1]} : vector<24x4096xf32> to vector<1x4096xf32>
    %slice3A_11 = vector.extract_strided_slice %get3A_8 {offsets = [2, 0], sizes = [1, 4096], strides = [1, 1]} : vector<24x4096xf32> to vector<1x4096xf32>
    %slice3A_12 = vector.extract_strided_slice %get3A_8 {offsets = [3, 0], sizes = [1, 4096], strides = [1, 1]} : vector<24x4096xf32> to vector<1x4096xf32>
    %slice3A_13 = vector.extract_strided_slice %get3A_8 {offsets = [4, 0], sizes = [1, 4096], strides = [1, 1]} : vector<24x4096xf32> to vector<1x4096xf32>
    %slice3A_14 = vector.extract_strided_slice %get3A_8 {offsets = [5, 0], sizes = [1, 4096], strides = [1, 1]} : vector<24x4096xf32> to vector<1x4096xf32>
    %slice3A_15 = vector.extract_strided_slice %get3A_8 {offsets = [6, 0], sizes = [1, 4096], strides = [1, 1]} : vector<24x4096xf32> to vector<1x4096xf32>
    %slice3A_16 = vector.extract_strided_slice %get3A_8 {offsets = [7, 0], sizes = [1, 4096], strides = [1, 1]} : vector<24x4096xf32> to vector<1x4096xf32>
    %slice3A_17 = vector.extract_strided_slice %get3A_8 {offsets = [8, 0], sizes = [1, 4096], strides = [1, 1]} : vector<24x4096xf32> to vector<1x4096xf32>
    %slice3A_18 = vector.extract_strided_slice %get3A_8 {offsets = [9, 0], sizes = [1, 4096], strides = [1, 1]} : vector<24x4096xf32> to vector<1x4096xf32>
    %slice3A_19 = vector.extract_strided_slice %get3A_8 {offsets = [10, 0], sizes = [1, 4096], strides = [1, 1]} : vector<24x4096xf32> to vector<1x4096xf32>
    %slice3A_20 = vector.extract_strided_slice %get3A_8 {offsets = [11, 0], sizes = [1, 4096], strides = [1, 1]} : vector<24x4096xf32> to vector<1x4096xf32>
    %slice3A_21 = vector.extract_strided_slice %get3A_8 {offsets = [12, 0], sizes = [1, 4096], strides = [1, 1]} : vector<24x4096xf32> to vector<1x4096xf32>
    %slice3A_22 = vector.extract_strided_slice %get3A_8 {offsets = [13, 0], sizes = [1, 4096], strides = [1, 1]} : vector<24x4096xf32> to vector<1x4096xf32>
    %slice3A_23 = vector.extract_strided_slice %get3A_8 {offsets = [15, 0], sizes = [1, 4096], strides = [1, 1]} : vector<24x4096xf32> to vector<1x4096xf32>
    %slice3A_24 = vector.extract_strided_slice %get3A_8 {offsets = [16, 0], sizes = [1, 4096], strides = [1, 1]} : vector<24x4096xf32> to vector<1x4096xf32>
    %slice3A_25 = vector.extract_strided_slice %get3A_8 {offsets = [17, 0], sizes = [1, 4096], strides = [1, 1]} : vector<24x4096xf32> to vector<1x4096xf32>
    %sub3A = vector.broadcast %slice3A : vector<512x1xf32> to vector<512x4096xf32>
    %sub3A_26 = vector.broadcast %slice3A_9 : vector<1x4096xf32> to vector<512x4096xf32>
    %sub3A_27 = arith.subf %sub3A, %sub3A_26 : vector<512x4096xf32>
    %sub3A_28 = vector.broadcast %slice3A_2 : vector<512x1xf32> to vector<512x4096xf32>
    %sub3A_29 = vector.broadcast %slice3A_10 : vector<1x4096xf32> to vector<512x4096xf32>
    %sub3A_30 = arith.subf %sub3A_28, %sub3A_29 : vector<512x4096xf32>
    %sub3A_31 = vector.broadcast %slice3A_3 : vector<512x1xf32> to vector<512x4096xf32>
    %sub3A_32 = vector.broadcast %slice3A_11 : vector<1x4096xf32> to vector<512x4096xf32>
    %sub3A_33 = arith.subf %sub3A_31, %sub3A_32 : vector<512x4096xf32>
    %mul3A = arith.mulf %sub3A_27, %sub3A_27 : vector<512x4096xf32>
    %mul3A_34 = arith.mulf %sub3A_30, %sub3A_30 : vector<512x4096xf32>
    %add3A = arith.addf %mul3A, %mul3A_34 : vector<512x4096xf32>
    %mul3A_35 = arith.mulf %sub3A_33, %sub3A_33 : vector<512x4096xf32>
    %add3A_36 = arith.addf %add3A, %mul3A_35 : vector<512x4096xf32>
    %add3A_37 = vector.broadcast %slice3A_22 : vector<1x4096xf32> to vector<512x4096xf32>
    %add3A_38 = arith.addf %add3A_36, %add3A_37 : vector<512x4096xf32>
    %reduce_min3A = arith.constant dense<0x7F800000> : vector<512xf32>
    %reduce_min3A_39 = vector.multi_reduction <minimumf>, %add3A_38, %reduce_min3A [1] : vector<512x4096xf32> to vector<512xf32>
    %broadcast_in_dim3A = vector.shape_cast %reduce_min3A_39 : vector<512xf32> to vector<512x1xf32>
    %eq3A = vector.broadcast %broadcast_in_dim3A : vector<512x1xf32> to vector<512x4096xf32>
    %eq3A_40 = arith.cmpf oeq, %add3A_38, %eq3A : vector<512x4096xf32>
    %jit3A = arith.constant 0x7F800000 : f32
    %broadcast_in_dim3A_41 = vector.broadcast %jit3A : f32 to vector<512x4096xf32>
    %select_n3A = arith.select %eq3A_40, %broadcast_in_dim3A_41, %add3A_38 : vector<512x4096xi1>, vector<512x4096xf32>
    %reduce_min3A_42 = arith.constant dense<0x7F800000> : vector<512xf32>
    %reduce_min3A_43 = vector.multi_reduction <minimumf>, %select_n3A, %reduce_min3A_42 [1] : vector<512x4096xf32> to vector<512xf32>
    %broadcast_in_dim3A_44 = vector.shape_cast %reduce_min3A_43 : vector<512xf32> to vector<512x1xf32>
    %eq3A_45 = vector.broadcast %broadcast_in_dim3A_44 : vector<512x1xf32> to vector<512x4096xf32>
    %eq3A_46 = arith.cmpf oeq, %select_n3A, %eq3A_45 : vector<512x4096xf32>
    %jit3A_47 = arith.constant 0x7F800000 : f32
    %broadcast_in_dim3A_48 = vector.broadcast %jit3A_47 : f32 to vector<512x4096xf32>
    %select_n3A_49 = arith.select %eq3A_46, %broadcast_in_dim3A_48, %select_n3A : vector<512x4096xi1>, vector<512x4096xf32>
    %reduce_min3A_50 = arith.constant dense<0x7F800000> : vector<512xf32>
    %reduce_min3A_51 = vector.multi_reduction <minimumf>, %select_n3A_49, %reduce_min3A_50 [1] : vector<512x4096xf32> to vector<512xf32>
    %broadcast_in_dim3A_52 = vector.shape_cast %reduce_min3A_51 : vector<512xf32> to vector<512x1xf32>
    %eq3A_53 = vector.broadcast %broadcast_in_dim3A_52 : vector<512x1xf32> to vector<512x4096xf32>
    %eq3A_54 = arith.cmpf oeq, %select_n3A_49, %eq3A_53 : vector<512x4096xf32>
    %jit3A_55 = arith.constant 0x7F800000 : f32
    %broadcast_in_dim3A_56 = vector.broadcast %jit3A_55 : f32 to vector<512x4096xf32>
    %select_n3A_57 = arith.select %eq3A_54, %broadcast_in_dim3A_56, %select_n3A_49 : vector<512x4096xi1>, vector<512x4096xf32>
    %reduce_min3A_58 = arith.constant dense<0x7F800000> : vector<512xf32>
    %reduce_min3A_59 = vector.multi_reduction <minimumf>, %select_n3A_57, %reduce_min3A_58 [1] : vector<512x4096xf32> to vector<512xf32>
    %broadcast_in_dim3A_60 = vector.shape_cast %reduce_min3A_59 : vector<512xf32> to vector<512x1xf32>
    %eq3A_61 = vector.broadcast %broadcast_in_dim3A_60 : vector<512x1xf32> to vector<512x4096xf32>
    %eq3A_62 = arith.cmpf oeq, %select_n3A_57, %eq3A_61 : vector<512x4096xf32>
    %jit3A_63 = arith.constant 0x7F800000 : f32
    %broadcast_in_dim3A_64 = vector.broadcast %jit3A_63 : f32 to vector<512x4096xf32>
    %select_n3A_65 = arith.select %eq3A_62, %broadcast_in_dim3A_64, %select_n3A_57 : vector<512x4096xi1>, vector<512x4096xf32>
    %reduce_min3A_66 = arith.constant dense<0x7F800000> : vector<512xf32>
    %reduce_min3A_67 = vector.multi_reduction <minimumf>, %select_n3A_65, %reduce_min3A_66 [1] : vector<512x4096xf32> to vector<512xf32>
    %broadcast_in_dim3A_68 = vector.shape_cast %reduce_min3A_67 : vector<512xf32> to vector<512x1xf32>
    %eq3A_69 = vector.broadcast %broadcast_in_dim3A_68 : vector<512x1xf32> to vector<512x4096xf32>
    %eq3A_70 = arith.cmpf oeq, %select_n3A_65, %eq3A_69 : vector<512x4096xf32>
    %jit3A_71 = arith.constant 0x7F800000 : f32
    %broadcast_in_dim3A_72 = vector.broadcast %jit3A_71 : f32 to vector<512x4096xf32>
    %select_n3A_73 = arith.select %eq3A_70, %broadcast_in_dim3A_72, %select_n3A_65 : vector<512x4096xi1>, vector<512x4096xf32>
    %reduce_min3A_74 = arith.constant dense<0x7F800000> : vector<512xf32>
    %reduce_min3A_75 = vector.multi_reduction <minimumf>, %select_n3A_73, %reduce_min3A_74 [1] : vector<512x4096xf32> to vector<512xf32>
    %broadcast_in_dim3A_76 = vector.shape_cast %reduce_min3A_75 : vector<512xf32> to vector<512x1xf32>
    %eq3A_77 = vector.broadcast %broadcast_in_dim3A_76 : vector<512x1xf32> to vector<512x4096xf32>
    %eq3A_78 = arith.cmpf oeq, %select_n3A_73, %eq3A_77 : vector<512x4096xf32>
    %jit3A_79 = arith.constant 0x7F800000 : f32
    %broadcast_in_dim3A_80 = vector.broadcast %jit3A_79 : f32 to vector<512x4096xf32>
    %select_n3A_81 = arith.select %eq3A_78, %broadcast_in_dim3A_80, %select_n3A_73 : vector<512x4096xi1>, vector<512x4096xf32>
    %reduce_min3A_82 = arith.constant dense<0x7F800000> : vector<512xf32>
    %reduce_min3A_83 = vector.multi_reduction <minimumf>, %select_n3A_81, %reduce_min3A_82 [1] : vector<512x4096xf32> to vector<512xf32>
    %broadcast_in_dim3A_84 = vector.shape_cast %reduce_min3A_83 : vector<512xf32> to vector<512x1xf32>
    %eq3A_85 = vector.broadcast %broadcast_in_dim3A_84 : vector<512x1xf32> to vector<512x4096xf32>
    %eq3A_86 = arith.cmpf oeq, %select_n3A_81, %eq3A_85 : vector<512x4096xf32>
    %jit3A_87 = arith.constant 0x7F800000 : f32
    %broadcast_in_dim3A_88 = vector.broadcast %jit3A_87 : f32 to vector<512x4096xf32>
    %select_n3A_89 = arith.select %eq3A_86, %broadcast_in_dim3A_88, %select_n3A_81 : vector<512x4096xi1>, vector<512x4096xf32>
    %reduce_min3A_90 = arith.constant dense<0x7F800000> : vector<512xf32>
    %reduce_min3A_91 = vector.multi_reduction <minimumf>, %select_n3A_89, %reduce_min3A_90 [1] : vector<512x4096xf32> to vector<512xf32>
    %broadcast_in_dim3A_92 = vector.shape_cast %reduce_min3A_91 : vector<512xf32> to vector<512x1xf32>
    %eq3A_93 = vector.broadcast %broadcast_in_dim3A_92 : vector<512x1xf32> to vector<512x4096xf32>
    %eq3A_94 = arith.cmpf oeq, %select_n3A_89, %eq3A_93 : vector<512x4096xf32>
    %jit3A_95 = arith.constant 0x7F800000 : f32
    %broadcast_in_dim3A_96 = vector.broadcast %jit3A_95 : f32 to vector<512x4096xf32>
    %select_n3A_97 = arith.select %eq3A_94, %broadcast_in_dim3A_96, %select_n3A_89 : vector<512x4096xi1>, vector<512x4096xf32>
    %ne3A = arith.cmpf one, %select_n3A_97, %add3A_38 : vector<512x4096xf32>
    %sub3A_98 = vector.broadcast %slice3A : vector<512x1xf32> to vector<512x4096xf32>
    %sub3A_99 = vector.broadcast %slice3A_23 : vector<1x4096xf32> to vector<512x4096xf32>
    %sub3A_100 = arith.subf %sub3A_98, %sub3A_99 : vector<512x4096xf32>
    %mul3A_101 = vector.broadcast %slice3A_12 : vector<1x4096xf32> to vector<512x4096xf32>
    %mul3A_102 = arith.mulf %mul3A_101, %sub3A_100 : vector<512x4096xf32>
    %sub3A_103 = vector.broadcast %slice3A_2 : vector<512x1xf32> to vector<512x4096xf32>
    %sub3A_104 = vector.broadcast %slice3A_24 : vector<1x4096xf32> to vector<512x4096xf32>
    %sub3A_105 = arith.subf %sub3A_103, %sub3A_104 : vector<512x4096xf32>
    %mul3A_106 = vector.broadcast %slice3A_13 : vector<1x4096xf32> to vector<512x4096xf32>
    %mul3A_107 = arith.mulf %mul3A_106, %sub3A_105 : vector<512x4096xf32>
    %add3A_108 = arith.addf %mul3A_102, %mul3A_107 : vector<512x4096xf32>
    %sub3A_109 = vector.broadcast %slice3A_3 : vector<512x1xf32> to vector<512x4096xf32>
    %sub3A_110 = vector.broadcast %slice3A_25 : vector<1x4096xf32> to vector<512x4096xf32>
    %sub3A_111 = arith.subf %sub3A_109, %sub3A_110 : vector<512x4096xf32>
    %mul3A_112 = vector.broadcast %slice3A_14 : vector<1x4096xf32> to vector<512x4096xf32>
    %mul3A_113 = arith.mulf %mul3A_112, %sub3A_111 : vector<512x4096xf32>
    %add3A_114 = arith.addf %add3A_108, %mul3A_113 : vector<512x4096xf32>
    %mul3A_115 = vector.broadcast %slice3A_15 : vector<1x4096xf32> to vector<512x4096xf32>
    %mul3A_116 = arith.mulf %mul3A_115, %add3A_114 : vector<512x4096xf32>
    %sub3A_117 = vector.broadcast %slice3A_16 : vector<1x4096xf32> to vector<512x4096xf32>
    %sub3A_118 = arith.subf %mul3A_116, %sub3A_117 : vector<512x4096xf32>
    %mul3A_119 = vector.broadcast %slice3A_18 : vector<1x4096xf32> to vector<512x4096xf32>
    %mul3A_120 = arith.mulf %mul3A_119, %add3A_114 : vector<512x4096xf32>
    %sub3A_121 = vector.broadcast %slice3A_17 : vector<1x4096xf32> to vector<512x4096xf32>
    %sub3A_122 = arith.subf %sub3A_121, %mul3A_120 : vector<512x4096xf32>
    %min3A = arith.minimumf %sub3A_118, %sub3A_122 : vector<512x4096xf32>
    %ge3A = arith.constant 0.000000e+00 : f32
    %ge3A_123 = vector.broadcast %ge3A : f32 to vector<512x4096xf32>
    %ge3A_124 = arith.cmpf oge, %min3A, %ge3A_123 : vector<512x4096xf32>
    %add3A_125 = arith.addf %sub3A_118, %sub3A_122 : vector<512x4096xf32>
    %le3A = vector.broadcast %slice3A_19 : vector<1x4096xf32> to vector<512x4096xf32>
    %le3A_126 = arith.cmpf ole, %add3A_125, %le3A : vector<512x4096xf32>
    %and3A = arith.andi %ge3A_124, %le3A_126 : vector<512x4096xi1>
    %ne3A_127 = vector.broadcast %slice3A_21 : vector<1x4096xf32> to vector<512x4096xf32>
    %ne3A_128 = vector.broadcast %slice3A_4 : vector<512x1xf32> to vector<512x4096xf32>
    %ne3A_129 = arith.cmpf one, %ne3A_127, %ne3A_128 : vector<512x4096xf32>
    %and3A_130 = arith.andi %and3A, %ne3A_129 : vector<512x4096xi1>
    %and3A_131 = arith.andi %and3A_130, %ne3A : vector<512x4096xi1>
    %jit3A_132 = arith.constant 0.000000e+00 : f32
    %broadcast_in_dim3A_133 = vector.shape_cast %slice3A_20 : vector<1x4096xf32> to vector<1x4096xf32>
    %broadcast_in_dim3A_134 = vector.broadcast %broadcast_in_dim3A_133 : vector<1x4096xf32> to vector<512x4096xf32>
    %broadcast_in_dim3A_135 = vector.broadcast %jit3A_132 : f32 to vector<512x4096xf32>
    %select_n3A_136 = arith.select %and3A_131, %broadcast_in_dim3A_134, %broadcast_in_dim3A_135 : vector<512x4096xi1>, vector<512x4096xf32>
    %reduce_sum3A = arith.constant dense<0.000000e+00> : vector<512xf32>
    %reduce_sum3A_137 = vector.multi_reduction <add>, %select_n3A_136, %reduce_sum3A [1] : vector<512x4096xf32> to vector<512xf32>
    %broadcast_in_dim3A_138 = vector.shape_cast %reduce_sum3A_137 : vector<512xf32> to vector<512x1xf32>
    %mul3A_139 = arith.mulf %broadcast_in_dim3A_138, %slice3A_5 : vector<512x1xf32>
    %swap3A = arith.constant 0 : index
    %swap3A_140 = arith.constant 0 : index
    %swap3A_141 = vector.load %arg3[%swap3A, %swap3A_140] : memref<512x1xf32, #tpu.memory_space<vmem>>, vector<512x1xf32>
    tpu.vector_store %arg3[%swap3A, %swap3A_140], %mul3A_139 {strides = array<i32>} : memref<512x1xf32, #tpu.memory_space<vmem>>, vector<512x1xf32>,
    return
  }
  func.func @transform_0(%arg0: i32) -> (i32, i32) {
    %c0_i32 = arith.constant 0 : i32
    %c0_i32_0 = arith.constant 0 : i32
    return %arg0, %c0_i32 : i32, i32
  }
  func.func @transform_1(%arg0: i32) -> (i32, i32) {
    %c0_i32 = arith.constant 0 : i32
    %c0_i32_0 = arith.constant 0 : i32
    %c0_i32_1 = arith.constant 0 : i32
    return %c0_i32, %c0_i32_0 : i32, i32
  }
  func.func @transform_2(%arg0: i32) -> (i32, i32) {
    %c0_i32 = arith.constant 0 : i32
    %c0_i32_0 = arith.constant 0 : i32
    return %arg0, %c0_i32 : i32, i32
  }
}

</mosaic_0001>

<sc_bundles>
// kernel: kernel.5.cloned.1.call-start
scs
__scs_entry_jumppad:
0x0: {  	(pc) =	sbr.rel $0x88, $3  }
0x1: {  	(tag) =	ssettag $0x0;
	lr =	simm.s32 $0x1  }
0x2: {  	[smem:$0x3F9F] =	sst lr;
	_ =	strace $0xD0000000  }
0x3: {  	_ = 	snop  }
0x4: {  	_ = 	snop  }
0x5: {  	_ = 	snop  }
0x6: {  	_ = 	snop  }
0x7: {  	_ = 	snop  }
__scs_overlays_trampoline_lowered:
0x8: {  	[smem:$0x3FAE] =	sst s0  }
0x9: {  	[smem:$0x3FAF] =	sst s1  }
0xa: {  	[smem:$0x3FB0] =	sst s2  }
0xb: {  	[smem:$0x3FB1] =	sst s3  }
0xc: {  	[smem:$0x3FB2] =	sst s4  }
0xd: {  	[smem:$0x3FB3] =	sst s5  }
0xe: {  	[smem:$0x3FB4] =	sst s6  }
0xf: {  	[smem:$0x3FB5] =	sst s7  }
0x10: {  	[smem:$0x3FB6] =	sst s8  }
0x11: {  	[smem:$0x3FB7] =	sst s9;
	s0 =	simm.s32 @!p0 $0x0  }
0x12: {  	s1 =	sld [smem:$0x3F9D];
	s0 =	simm.s32 @p0 $0x1  }
0x13: {  	[smem:$0x3FB8] =	sst s0;
	s0 =	simm.s32 @!p1 $0x0  }
0x14: {  	s2 =	sld [smem:$0x3F9C];
	s0 =	simm.s32 @p1 $0x1  }
0x15: {  	[smem:$0x3FB9] =	sst s0;
	s0 =	simm.s32 @!p2 $0x0  }
0x16: {  	s3 =	sld [smem:$0x3FDB];
	s0 =	simm.s32 @p2 $0x1  }
0x17: {  	s4 =	simm.s32 $0x1BF5;
	[smem:$0x3FBB] =	sst s0  }
0x18: {  	s0 =	sld [smem:$0x3F9E];
	_ =	swait.ge [sflag:s4], $0x0  }
0x19: {  	s7 =	sld [smem:$0x3F9F]  }
0x1a: {  	s8 =	sadd.s32 $0xFFFFE003, lr  }
0x1b: {  	s9 =	sadd.s32 $0xFFFFFEF7, lr;
	s5 =	simm.s32 $0xFFFFFFFF;
	p2 =	slt.u32 s8, $0xFFFFF086  }
0x1c: {  	p1 =	slt.u32 s9, $0xF7A;
	s5 =	simm.s32 @!p2 $0x0  }
0x1d: {  	s5 =	simm.s32 @p1 $0x1;
	p0 =	seq.s32 s7, s2  }
0x1e: {  	s7 =	smul.u32 @!p0 $0xF7A, s2;
	p2 =	seq.s32 @!p0 s5, $0x0  }
0x1f: {  	s9 =	smul.u32 $0xF7A, s1;
	s8 =	simm.s32 @!p0 $0x1BF5;
	p2 =	por !p2, p0  }
0x20: {  	[sflag:s8] =	ssyncset.s32 @!p0 $0xFFFFF086;
	s6 =	sadd.s32 @!p0 s3, s7;
	s7 =	simm.s32 @!p0 $0x108  }
0x21: {  	s3 =	sadd.s32 s3, s9;
	s6 =	sadd.s32 @!p0 $0x88, s6;
	s7 =	simm.s32 @p2 $0x1082  }
0x22: {  	[simem:s7], [sflag:s8] =	dma.local @!p0 [hbm:s6], $0xF7A  }
0x23: {  	s9 =	sor.u32 $0xD0000000, s2;
	s6 =	simm.s32 $0x108;
	_ =	swait.ge @!p0 [sflag:s8], $0x0  }
0x24: {  	s3 =	sadd.s32 $0x88, s3;
	s6 =	simm.s32 @!p1 $0x1082;
	[sflag:s4] =	ssyncset.s32 $0xFFFFF086  }
0x25: {  	[simem:s6], [sflag:s4] =	dma.local [hbm:s3], $0xF7A  }
0x26: {  	[smem:$0x3F9F] =	sst s1;
	(tag) =	ssettag s2;
	_ =	strace s9  }
0x27: {  	s1 =	sld [smem:$0x3FAF]  }
0x28: {  	s2 =	sld [smem:$0x3FB0]  }
0x29: {  	s4 =	sld [smem:$0x3FB2]  }
0x2a: {  	p0 =	seq.s32 s5, $0x0;
	s5 =	sld [smem:$0x3FB3]  }
0x2b: {  	s6 =	sld [smem:$0x3FB4]  }
0x2c: {  	s7 =	sld [smem:$0x3FB5]  }
0x2d: {  	s3 =	simm.s32 $0x108;
	s8 =	sld [smem:$0x3FB6]  }
0x2e: {  	s3 =	simm.s32 @!p0 $0x1082;
	s9 =	sld [smem:$0x3FB7]  }
0x2f: {  	lr =	sadd.s32 s0, s3;
	s0 =	sld [smem:$0x3FAE]  }
0x30: {  	s3 =	sld [smem:$0x3FB1]  }
0x31: {  	[smem:$0x3FBA] =	sst s10  }
0x32: {  	s10 =	sld [smem:$0x3FB8];
	_ =	sdelay $0x3  }
0x33: {  	p0 =	seq.s32 s10, $0x1;
	s10 =	sld [smem:$0x3FBA];
	_ =	sdelay $0x3  }
0x34: {  	[smem:$0x3FBA] =	sst s10  }
0x35: {  	s10 =	sld [smem:$0x3FB9];
	_ =	sdelay $0x3  }
0x36: {  	p1 =	seq.s32 s10, $0x1;
	s10 =	sld [smem:$0x3FBA];
	_ =	sdelay $0x3  }
0x37: {  	[smem:$0x3FBA] =	sst s10  }
0x38: {  	s10 =	sld [smem:$0x3FBB]  }
0x39: {  	_ = 	snop;
	(pc) =	sbr.ind lr, $3  }
0x3a: {  	_ = 	snop  }
0x3b: {  	_ = 	snop  }
0x3c: {  	p2 =	seq.s32 s10, $0x1;
	s10 =	sld [smem:$0x3FBA]  }
0x3d: {  	_ =	shalt  }
0x3e: {  	_ =	shalt  }
0x3f: {  	_ =	shalt  }
0x40: {  	_ =	shalt  }
0x41: {  	_ =	shalt  }
0x42: {  	_ =	shalt  }
0x43: {  	_ =	shalt  }
0x44: {  	_ =	shalt  }
0x45: {  	_ =	shalt  }
0x46: {  	_ =	shalt  }
0x47: {  	_ =	shalt  }
0x48: {  	_ =	shalt  }
0x49: {  	_ =	shalt  }
0x4a: {  	_ =	shalt  }
0x4b: {  	_ =	shalt  }
0x4c: {  	_ =	shalt  }
0x4d: {  	_ =	shalt  }
0x4e: {  	_ =	shalt  }
0x4f: {  	_ =	shalt  }
0x50: {  	_ =	shalt  }
0x51: {  	_ =	shalt  }
0x52: {  	_ =	shalt  }
0x53: {  	_ =	shalt  }
0x54: {  	_ =	shalt  }
0x55: {  	_ =	shalt  }
0x56: {  	_ =	shalt  }
0x57: {  	_ =	shalt  }
0x58: {  	_ =	shalt  }
0x59: {  	_ =	shalt  }
0x5a: {  	_ =	shalt  }
0x5b: {  	_ =	shalt  }
0x5c: {  	_ =	shalt  }
0x5d: {  	_ =	shalt  }
0x5e: {  	_ =	shalt  }
0x5f: {  	_ =	shalt  }
0x60: {  	_ =	shalt  }
0x61: {  	_ =	shalt  }
0x62: {  	_ =	shalt  }
0x63: {  	_ =	shalt  }
0x64: {  	_ =	shalt  }
0x65: {  	_ =	shalt  }
0x66: {  	_ =	shalt  }
0x67: {  	_ =	shalt  }
0x68: {  	_ =	shalt  }
0x69: {  	_ =	shalt  }
0x6a: {  	_ =	shalt  }
0x6b: {  	_ =	shalt  }
0x6c: {  	_ =	shalt  }
0x6d: {  	_ =	shalt  }
0x6e: {  	_ =	shalt  }
0x6f: {  	_ =	shalt  }
0x70: {  	_ =	shalt  }
0x71: {  	_ =	shalt  }
0x72: {  	_ =	shalt  }
0x73: {  	_ =	shalt  }
0x74: {  	_ =	shalt  }
0x75: {  	_ =	shalt  }
0x76: {  	_ =	shalt  }
0x77: {  	_ =	shalt  }
0x78: {  	_ =	shalt  }
0x79: {  	_ =	shalt  }
0x7a: {  	_ =	shalt  }
0x7b: {  	_ =	shalt  }
0x7c: {  	_ =	shalt  }
0x7d: {  	_ =	shalt  }
0x7e: {  	_ =	shalt  }
0x7f: {  	_ =	shalt  }
0x80: {  	_ =	shalt  }
0x81: {  	_ =	shalt  }
0x82: {  	_ =	shalt  }
0x83: {  	_ =	shalt  }
0x84: {  	_ =	shalt  }
0x85: {  	_ =	shalt  }
0x86: {  	_ =	shalt  }
0x87: {  	_ =	shalt  }
.Lfunc_end0:
.L_simem_size_0:
called_computation_lowered:
.L_overlay_start_0:
0x88: {  	s2 =	sld [smem:$0x3FD9]  }
0x89: {  	s3 =	sld [smem:$0x3FFE];
	_ =	sdelay $0x1  }
0x8a: {  	s1 =	srdreg.scid  }
0x8b: {  	s0 =	sand.u32 $0x1, s1  }
0x8c: {  	s16 =	sshll.u32 s0, $0xA;
	s2 =	sadd.s32 s3, s2  }
0x8d: {  	s2 =	sadd.s32 s2, s16  }
0x8e: {  	[smem:$0x3FC6] =	sst s2  }
0x8f: {  	_ = 	snop  }
0x90: {  	(tm) =	ssettm $0x1  }
0x91: {  	s17 =	sld [smem:$0x3FFB];
	_ =	sdelay $0x3  }
0x92: {  	_ =	strace s17  }
0x93: {  	s2 =	sld [smem:$0x3FFC];
	_ =	sdelay $0x3  }
0x94: {  	_ =	strace s2  }
0x95: {  	s2 =	sld [smem:$0x3FFD];
	_ =	sdelay $0x3  }
0x96: {  	_ =	strace s2  }
0x97: {  	_ =	strace $0x8FFFFFFF  }
0x98: {  	s18 =	sld [smem:$0x3FDB];
	_ =	sdelay $0x1  }
0x99: {  	s19 =	simm.s32 $_scs_section_size  }
0x9a: {  	s4 =	simm.s32 $_size__tile_overlayer_lowered;
	s5 =	simm.s32 $_tile_overlayer_lowered  }
0x9b: {  	s22 =	simm.s32 $0x1BFF;
	s21 =	sshll.u32 s5, $0x1;
	s2 =	sadd.s32 s19, s18  }
0x9c: {  	s6 =	simm.s32 $0x0;
	s20 =	sshll.u32 s4, $0x1;
	s4 =	sadd.s32 s21, s2  }
0x9d: {  	[timem:s6], [sflag:s22] =	dma.local [hbm:s4], s20  }
0x9e: {  	_ =	swait.ge [sflag:s22], s20  }
0x9f: {  	s3 =	ssub.s32 $0x0, s20;
	[sflag:s22] =	ssyncset.done $0x0  }
0xa0: {  	[sflag:s22] =	ssyncadd.s32 s3;
	_ =	sdelay $0x1  }
0xa1: {  	s23 =	simm.s32 $0x1B8B  }
0xa2: {  	_ =	swait.ge [sflag:s23], $0x1  }
0xa3: {  	[sflag:s23] =	ssyncset.done $0x0  }
0xa4: {  	s25 =	simm.s32 $0x1B8E;
	s24 =	sld [smem:$0x3FFE];
	[sflag:s23] =	ssyncadd.s32 $0xFFFFFFFF  }
0xa5: {  	s26 =	simm.s32 $execute0_lowered;
	[smem:$0x3FD2] =	sst s25  }
0xa6: {  	s4 =	sshll.u32 s26, $0x1;
	_ =	strace $0x80000046;
	[dreg:$0x1] =	wrdreg $0xFFFFFFFF  }
0xa7: {  	s28 =	simm.s32 $_size_execute0_lowered;
	s2 =	sadd.s32 s2, s4;
	[dreg:$0x0] =	wrdreg $0x0  }
0xa8: {  	s4 =	sshll.u32 s28, $0x1;
	[dreg:$0x2] =	wrdreg s2  }
0xa9: {  	[dreg:$0x3] =	wrdreg s4  }
0xaa: {  	[dreg:$0x4] =	wrdreg $0xC0  }
0xab: {  	_ =	task [dreg:s6], $0x5FFFF  }
0xac: {  	[dreg:$0x1] =	wrdreg $0xFFFFFFFF  }
0xad: {  	[dreg:$0x0] =	wrdreg $0x60  }
0xae: {  	[dreg:$0x2] =	wrdreg s24  }
0xaf: {  	[dreg:$0x3] =	wrdreg $0x9  }
0xb0: {  	_ =	task.clear_ibuf [dreg:s6], $0x4FFFF;
	_ =	strace $0x90000046  }
0xb1: {  	s29 =	simm.s32 $0x9;
	_ =	strace $0x80000048  }
0xb2: {  	_ =	swait.ge [sflag:s29], $0x1  }
0xb3: {  	[sflag:s29] =	ssyncadd.s32 $0xFFFFFFFF  }
0xb4: {  	_ =	strace $0x90000048  }
0xb5: {  	_ =	sfence  }
0xb6: {  	s30 =	sld [smem:$0x0];
	_ =	sdelay $0x2  }
0xb7: {  	s31 =	sshll.u32 s1, $0xD;
	s1 =	sshrl.u32 s1, $0x2  }
0xb8: {  	s3 =	sand.u32 $0x4000, s31;
	s1 =	sadd.s32 s1, s30  }
0xb9: {  	s0 =	sor.u32 s3, s0;
	s1 =	sshll.u32 s1, $0x11  }
0xba: {  	s0 =	sor.u32 s1, s0  }
0xbb: {  	s0 =	sadd.s32 $0x8F2B, s0  }
0xbc: {  	[sflag:s0] =	ssyncadd.remote.s32 $0x1  }
0xbd: {  	_ =	sfence.sel $0xFFFF  }
0xbe: {  	[dreg:$0x0] =	wrdreg $0xFFFFFFFF;
	(pc) =	sbr.abs _section_cstart, $3  }
0xbf: {  	[dreg:$0x1] =	wrdreg $0xFFFFFFFF  }
0xc0: {  	_ =	task.clear_ibuf [dreg:s6], $0x2FFFF;
	_ =	strace $0x9FFFFFFF  }
0xc1: {  	(tm) =	ssettm $0x7FFFFFFF  }
tec
execute0_lowered:
.L_overlay_start_1:
0x0: {  	(tag) =	ssettag $0x1  }
0x1: {  	s1 =	srdreg.scid;
	s0 =	stileid.u32  }
0x2: {  	s13 =	sand.u32 $0x1, s1;
	s31 =	sshll.u32 s0, $0x1  }
0x3: {  	s14 =	sor.u32 s13, s31  }
0x4: {  	s4 =	smul.u32 $0x180, s14  }
0x5: {  	s2 =	rddreg [dreg:$0x0]  }
0x6: {  	s3 =	simm.s32 $0x0;
	s1 =	rddreg [dreg:$0x1];
	s4 =	sshrl.u32 s4, $0x3  }
0x7: {  	[smem:$0x7FF] =	sst s3;
	s11 =	sadd.s32 s4, s2  }
0x8: {  	_ =	strace $0x80000047;
	s4 =	simm.s32 $0x2;
	s5 =	sadd.s32 $0x9E00, s11  }
0x9: {  	[tilespmem:s3], [sflag:$0x2] =	stream.linear.gather [hbm4b:s5+s3], $0x80, $0x38;
	[tilespmem:$0xC200] =	vst v63  }
0xa: {  	_ =	swait.ge [sflag:s4], $0x80  }
0xb: {  	s6 =	simm.s32 $0x80;
	[sflag:s4] =	ssyncset.done $0x0  }
0xc: {  	s7 =	simm.s32 $0x200;
	s8 =	simm.s32 $0x1;
	[sflag:s4] =	ssyncadd.s32 $0xFFFFFF80  }
0xd: {  	[tilespmem:s7], [sflag:$0x1] =	stream.indirect.gather [hbm4b:s2+s6], $0x80, s3, s6, $0xb8;
	[tilespmem:$0xC200] =	vst v63  }
0xe: {  	_ =	swait.ge [sflag:s8], $0x4000  }
0xf: {  	[sflag:s8] =	ssyncset.done $0x0  }
0x10: {  	s9 =	sadd.s32 $0x9E10, s11;
	[sflag:s8] =	ssyncadd.s32 $0xFFFFC000  }
0x11: {  	[tilespmem:s6], [sflag:$0x2] =	stream.linear.gather [hbm4b:s9+s3], $0x80, $0x38;
	[tilespmem:$0xC200] =	vst v63  }
0x12: {  	_ =	swait.ge [sflag:s4], $0x80  }
0x13: {  	[sflag:s4] =	ssyncset.done $0x0  }
0x14: {  	s10 =	simm.s32 $0x4200;
	[sflag:s4] =	ssyncadd.s32 $0xFFFFFF80  }
0x15: {  	[tilespmem:s10], [sflag:$0x1] =	stream.indirect.gather [hbm4b:s2+s6], $0x80, s6, s6, $0xb8;
	[tilespmem:$0xC200] =	vst v63  }
0x16: {  	_ =	swait.ge [sflag:s8], $0x4000  }
0x17: {  	s12 =	simm.s32 $0x100;
	[sflag:s8] =	ssyncset.done $0x0  }
0x18: {  	s15 =	ssub.s32 $0x2, s13;
	s11 =	sadd.s32 $0x9E20, s11;
	[sflag:s8] =	ssyncadd.s32 $0xFFFFC000  }
0x19: {  	[tilespmem:s12], [sflag:$0x2] =	stream.linear.gather [hbm4b:s11+s3], $0x80, $0x38;
	[tilespmem:$0xC200] =	vst v63  }
0x1a: {  	s16 =	sshrl.u32 s15, $0x1;
	_ =	swait.ge [sflag:s4], $0x80  }
0x1b: {  	s13 =	simm.s32 $0x8200;
	s15 =	ssub.s32 s15, s16;
	[sflag:s4] =	ssyncset.done $0x0  }
0x1c: {  	s14 =	smul.u32 $0x1800, s14;
	s15 =	smax.u32 s15, $0x1;
	[sflag:s4] =	ssyncadd.s32 $0xFFFFFF80  }
0x1d: {  	[tilespmem:s13], [sflag:$0x1] =	stream.indirect.gather [hbm4b:s2+s6], $0x80, s12, s6, $0xb8;
	[tilespmem:$0xC200] =	vst v63  }
0x1e: {  	p0 =	sne.s32 s15, $0x1;
	_ =	swait.ge [sflag:s8], $0x4000  }
.Ltmp0:
0x1f: {  	s14 =	sadd.s32 s14, s2;
	[sflag:s8] =	ssyncset.done $0x0;
	(pc) =	sbr.rel @!p0 .LBB2_2-.Ltmp0, $4  }
0x20: {  	s14 =	sadd.s32 $0xA400, s14;
	[sflag:s8] =	ssyncadd.s32 $0xFFFFC000  }
0x21: {  	[hbm4b:s14+s3] =	stream.linear.scatter [tilespmem:s7], [sflag:$0x2], $0xC000, $0x38;
	[tilespmem:$0xC200] =	vst v63  }
0x22: {  	_ =	swait.ge [sflag:s4], $0xC000  }
0x23: {  	s15 =	sadd.s32 $0xFFFFFFFF, s15;
	[sflag:s4] =	ssyncset.done $0x0  }
.LBB2_1:
0x24: {  	p0 =	sne.s32 s15, $0x1;
	s15 =	sadd.s32 $0xFFFFFFFF, s15;
	[sflag:s4] =	ssyncadd.s32 $0xFFFF4000  }
0x25: {  	[tilespmem:s3], [sflag:$0x2] =	stream.linear.gather [hbm4b:s5+s3], $0x80, $0x38;
	[tilespmem:$0xC200] =	vst v63  }
0x26: {  	_ =	swait.ge [sflag:s4], $0x80  }
0x27: {  	[sflag:s4] =	ssyncset.done $0x0  }
0x28: {  	[sflag:s4] =	ssyncadd.s32 $0xFFFFFF80  }
0x29: {  	[tilespmem:s7], [sflag:$0x1] =	stream.indirect.gather [hbm4b:s2+s6], $0x80, s3, s6, $0xb8;
	[tilespmem:$0xC200] =	vst v63  }
0x2a: {  	_ =	swait.ge [sflag:s8], $0x4000  }
0x2b: {  	[sflag:s8] =	ssyncset.done $0x0  }
0x2c: {  	[sflag:s8] =	ssyncadd.s32 $0xFFFFC000  }
0x2d: {  	[tilespmem:s6], [sflag:$0x2] =	stream.linear.gather [hbm4b:s9+s3], $0x80, $0x38;
	[tilespmem:$0xC200] =	vst v63  }
0x2e: {  	_ =	swait.ge [sflag:s4], $0x80  }
0x2f: {  	[sflag:s4] =	ssyncset.done $0x0  }
0x30: {  	[sflag:s4] =	ssyncadd.s32 $0xFFFFFF80  }
0x31: {  	[tilespmem:s10], [sflag:$0x1] =	stream.indirect.gather [hbm4b:s2+s6], $0x80, s6, s6, $0xb8;
	[tilespmem:$0xC200] =	vst v63  }
0x32: {  	_ =	swait.ge [sflag:s8], $0x4000  }
0x33: {  	[sflag:s8] =	ssyncset.done $0x0  }
0x34: {  	[sflag:s8] =	ssyncadd.s32 $0xFFFFC000  }
0x35: {  	[tilespmem:s12], [sflag:$0x2] =	stream.linear.gather [hbm4b:s11+s3], $0x80, $0x38;
	[tilespmem:$0xC200] =	vst v63  }
0x36: {  	_ =	swait.ge [sflag:s4], $0x80  }
0x37: {  	[sflag:s4] =	ssyncset.done $0x0  }
0x38: {  	[sflag:s4] =	ssyncadd.s32 $0xFFFFFF80  }
0x39: {  	[tilespmem:s13], [sflag:$0x1] =	stream.indirect.gather [hbm4b:s2+s6], $0x80, s12, s6, $0xb8;
	[tilespmem:$0xC200] =	vst v63  }
0x3a: {  	_ =	swait.ge [sflag:s8], $0x4000  }
.Ltmp1:
0x3b: {  	[sflag:s8] =	ssyncset.done $0x0;
	(pc) =	sbr.rel @p0 .LBB2_1-.Ltmp1, $4  }
0x3c: {  	[sflag:s8] =	ssyncadd.s32 $0xFFFFC000  }
0x3d: {  	[hbm4b:s14+s3] =	stream.linear.scatter [tilespmem:s7], [sflag:$0x2], $0xC000, $0x38;
	[tilespmem:$0xC200] =	vst v63  }
0x3e: {  	_ =	swait.ge [sflag:s4], $0xC000  }
0x3f: {  	[sflag:s4] =	ssyncset.done $0x0  }
.LBB2_2:
0x40: {  	[sflag:s4] =	ssyncadd.s32 $0xFFFF4000  }
0x41: {  	_ =	sfence.sel $0x180000  }
0x42: {  	[bflag:$0x0] =	sbarrier.arrive $0xFFFF  }
0x43: {  	p0 =	sne.s32 s0, $0x0;
	_ =	strace $0x90000047  }
0x44: {  	s0 =	sadd.s32 @!p0 $0x100000, s1;
	[bflag:$0x2] =	sbarrier.arrive $0xFFFF  }
0x45: {  	[sflag:s0] =	ssyncadd.tile.s32 @!p0 $0x1;
	_ =	shalt  }
.Lfunc_end2:
_tile_overlayer_lowered:
.L_overlay_start_2:
0x46: {  	(tag) =	ssettag $0x2  }
0x47: {  	s0 =	rddreg [dreg:$0x0];
	s2 =	stileid.u32  }
0x48: {  	s1 =	rddreg [dreg:$0x1];
	p0 =	sne.s32 s2, $0x0  }
0x49: {  	s3 =	rddreg [dreg:$0x2];
	[bflag:$0x3] =	sbarrier.arrive $0xFFFF;
	s2 =	simm.s32 @!p0 $0x1C02  }
0x4a: {  	[timem:s3], [sflag:s2] =	dma.local @!p0 [hbm:s0], s1  }
0x4b: {  	s0 =	simm.s32 @!p0 $0x2  }
0x4c: {  	_ =	swait.ge @!p0 [sflag:s0], s1  }
0x4d: {  	s1 =	ssub.s32 @!p0 $0x0, s1;
	[sflag:s0] =	ssyncset.done @!p0 $0x0  }
0x4e: {  	[sflag:s0] =	ssyncadd.s32 @!p0 s1  }
0x4f: {  	[bflag:$0x3] =	sbarrier.arrive $0xFFFF  }
0x50: {  	_ =	shalt  }

</sc_bundles>
